<compile_context>
chip_gen: v7x
topology: tpu7x:2x2x1
jax: 0.10.2.dev20260603
libtpu: 0.0.44.dev20260713+nightly
codegen_flags: <defaults>
</compile_context>

<pallas_src>
import functools

import jax
jax.config.update("jax_enable_x64", True)
import jax.numpy as jnp
from jax import lax
from jax.experimental import pallas as pl
from jax.experimental.pallas import tpu as pltpu
from jax.experimental.pallas import tpu_sc as plsc

F = 128
E = 320000
NC, NS = 2, 16
NW = NC * NS
R = 80
EPADR = NW * R
EPAD = EPADR * 128

_i32 = jnp.int32


def _mesh():
    return plsc.VectorSubcoreMesh(core_axis_name="c", subcore_axis_name="s")


def _im(*vals):
    def f(i):
        i = i.astype(jnp.int32) if hasattr(i, "astype") else _i32(i)
        z = _i32(0)
        return tuple(i if v == "i" else z for v in vals)
    return f



@functools.partial(jax.jit, static_argnames=("npad",))
def _sc_deg(dstp, *, npad):

    @functools.partial(
        pl.kernel,
        out_type=jax.ShapeDtypeStruct((NW * npad,), jnp.float32),
        mesh=_mesh(),
        compiler_params=pltpu.CompilerParams(needs_layout_passes=False),
        scratch_types=[
            pltpu.VMEM((R, 128), jnp.int32),
            pltpu.VMEM((npad,), jnp.float32),
        ],
    )
    def k(dst_hbm, out_hbm, dst_v, acc_v):
        wid = lax.axis_index("s") * NC + lax.axis_index("c")
        pltpu.sync_copy(dst_hbm.at[pl.ds(wid * R, R), :], dst_v)

        @pl.loop(_i32(0), _i32(npad // 16), step=_i32(1))
        def _(i):
            acc_v[pl.ds(i * 16, 16)] = jnp.zeros((16,), jnp.float32)

        ones = jnp.full((16,), 1.0, jnp.float32)

        @pl.loop(_i32(0), _i32(R), step=_i32(1))
        def _(j):
            for s in range(8):
                d = dst_v[j, pl.ds(s * 16, 16)]
                plsc.addupdate_scatter(acc_v, [d], ones)

        pltpu.sync_copy(acc_v, out_hbm.at[pl.ds(wid * npad, npad)])

    return k(dstp)


@functools.partial(jax.jit, static_argnames=("kpad",))
def _sc_gather_rows(xp, idxp, *, kpad):
    b = kpad // NW
    nch = b // 80
    ch = b // nch

    @functools.partial(
        pl.kernel,
        out_type=jax.ShapeDtypeStruct((kpad, F), jnp.float32),
        mesh=_mesh(),
        compiler_params=pltpu.CompilerParams(needs_layout_passes=False),
        scratch_types=[
            pltpu.VMEM((ch,), jnp.int32),
            pltpu.VMEM((ch, F), jnp.float32),
            pltpu.SemaphoreType.DMA,
        ],
    )
    def k(x_hbm, idx_hbm, out_hbm, idx_v, rows_v, sem):
        wid = lax.axis_index("s") * NC + lax.axis_index("c")
        for c in range(nch):
            base = wid * b + c * ch
            pltpu.sync_copy(idx_hbm.at[pl.ds(base, ch)], idx_v)
            pltpu.async_copy(x_hbm.at[idx_v], rows_v, sem).wait()
            pltpu.sync_copy(rows_v, out_hbm.at[pl.ds(base, ch), :])

    return k(xp, idxp)


@functools.partial(jax.jit, static_argnames=("kpad",))
def _sc_gather_rows_big(xp, idxp, *, kpad):
    b = kpad // NW
    ch = 80
    nch = b // ch

    @functools.partial(
        pl.kernel,
        out_type=jax.ShapeDtypeStruct((kpad, F), jnp.float32),
        mesh=_mesh(),
        compiler_params=pltpu.CompilerParams(needs_layout_passes=False),
        scratch_types=[
            pltpu.VMEM((b,), jnp.int32),
            pltpu.VMEM((ch, F), jnp.float32),
            pltpu.VMEM((ch, F), jnp.float32),
            pltpu.SemaphoreType.DMA,
            pltpu.SemaphoreType.DMA,
        ],
    )
    def k(x_hbm, idx_hbm, out_hbm, idx_v, rows_a, rows_b, sem_a, sem_b):
        wid = lax.axis_index("s") * NC + lax.axis_index("c")
        base0 = wid * b
        pltpu.sync_copy(idx_hbm.at[pl.ds(base0, b)], idx_v)
        pltpu.async_copy(x_hbm.at[idx_v.at[pl.ds(_i32(0), ch)]], rows_a, sem_a)

        @pl.loop(_i32(0), _i32(nch), step=_i32(2))
        def _(c):
            pltpu.async_copy(
                x_hbm.at[idx_v.at[pl.ds((c + 1) * ch, ch)]], rows_b, sem_b)
            pltpu.make_async_copy(
                x_hbm.at[idx_v.at[pl.ds(c * ch, ch)]], rows_a, sem_a).wait()
            pltpu.sync_copy(rows_a, out_hbm.at[pl.ds(base0 + c * ch, ch), :])

            @pl.when(c + 2 < nch)
            def _():
                pltpu.async_copy(
                    x_hbm.at[idx_v.at[pl.ds((c + 2) * ch, ch)]], rows_a, sem_a)

            pltpu.make_async_copy(
                x_hbm.at[idx_v.at[pl.ds((c + 1) * ch, ch)]], rows_b, sem_b).wait()
            pltpu.sync_copy(rows_b, out_hbm.at[pl.ds(base0 + (c + 1) * ch, ch), :])

    return k(xp, idxp)


@functools.partial(jax.jit, static_argnames=("npad", "kk", "kpad", "sent"))
def _sc_remap(srcp, dstp, idxp, *, npad, kk, kpad, sent):

    @functools.partial(
        pl.kernel,
        out_type=jax.ShapeDtypeStruct((2, EPADR, 128), jnp.int32),
        mesh=_mesh(),
        compiler_params=pltpu.CompilerParams(needs_layout_passes=False),
        scratch_types=[
            pltpu.VMEM((R, 128), jnp.int32),
            pltpu.VMEM((R, 128), jnp.int32),
            pltpu.VMEM((npad,), jnp.int32),
            pltpu.VMEM((kpad,), jnp.int32),
            pltpu.VMEM((R, 128), jnp.int32),
            pltpu.VMEM((R, 128), jnp.int32),
        ],
    )
    def k(src_hbm, dst_hbm, idx_hbm, out_hbm,
          src_v, dst_v, pos_v, idx_v, os_v, od_v):
        wid = lax.axis_index("s") * NC + lax.axis_index("c")
        pltpu.sync_copy(src_hbm.at[pl.ds(wid * R, R), :], src_v)
        pltpu.sync_copy(dst_hbm.at[pl.ds(wid * R, R), :], dst_v)
        pltpu.sync_copy(idx_hbm, idx_v)

        @pl.loop(_i32(0), _i32(npad // 16), step=_i32(1))
        def _(i):
            pos_v[pl.ds(i * 16, 16)] = jnp.full((16,), -1, jnp.int32)

        iota = lax.iota(jnp.int32, 16)

        @pl.loop(_i32(0), _i32(kpad // 16), step=_i32(1))
        def _(i):
            c16 = idx_v[pl.ds(i * 16, 16)]
            posv = i * 16 + iota
            plsc.store_scatter(pos_v, [c16], posv, mask=posv < kk)

        @pl.loop(_i32(0), _i32(R), step=_i32(1))
        def _(j):
            for s in range(8):
                sc = src_v[j, pl.ds(s * 16, 16)]
                dc = dst_v[j, pl.ds(s * 16, 16)]
                s2 = plsc.load_gather(pos_v, [sc])
                d2 = plsc.load_gather(pos_v, [dc])
                pe = (wid * R + j) * 128 + s * 16 + iota
                real = pe < E
                keep = (s2 >= 0) & (d2 >= 0) & real
                os_v[j, pl.ds(s * 16, 16)] = jnp.where(keep, s2, 0)
                od_v[j, pl.ds(s * 16, 16)] = jnp.where(
                    keep, d2, jnp.where(real, _i32(0), _i32(sent)))

        pltpu.sync_copy(os_v, out_hbm.at[_i32(0), pl.ds(wid * R, R), :])
        pltpu.sync_copy(od_v, out_hbm.at[_i32(1), pl.ds(wid * R, R), :])

    return k(srcp, dstp, idxp)



def _tc_mm(xp, W, npad):
    rb = 1280
    g = npad // rb

    def body(x_ref, w_ref, o_ref):
        o_ref[...] = jnp.dot(x_ref[...], w_ref[...],
                             preferred_element_type=jnp.float32)

    return pl.pallas_call(
        body,
        grid=(g,),
        in_specs=[pl.BlockSpec((rb, F), _im("i", "z")),
                  pl.BlockSpec((F, F), _im("z", "z"))],
        out_specs=pl.BlockSpec((rb, F), _im("i", "z")),
        out_shape=jax.ShapeDtypeStruct((npad, F), jnp.float32),
    )(xp, W)


def _tc_combine(agg, h, nn_full, npad, relu):
    rb = 1280
    g = npad // rb

    def body(a_ref, h_ref, n_ref, o_ref):
        o = a_ref[...] + h_ref[...] * n_ref[...]
        o_ref[...] = jnp.maximum(o, 0.0) if relu else o

    return pl.pallas_call(
        body,
        grid=(g,),
        in_specs=[pl.BlockSpec((rb, F), _im("i", "z")),
                  pl.BlockSpec((rb, F), _im("i", "z")),
                  pl.BlockSpec((rb, F), _im("i", "z"))],
        out_specs=pl.BlockSpec((rb, F), _im("i", "z")),
        out_shape=jax.ShapeDtypeStruct((npad, F), jnp.float32),
    )(agg, h, nn_full)


def _tc_tanh_matvec(xp, p, npad):
    rb = 1280
    g = npad // rb

    def body(x_ref, p_ref, o_ref):
        s = jnp.dot(x_ref[...], p_ref[...], preferred_element_type=jnp.float32)
        o_ref[...] = jnp.tanh(s)

    return pl.pallas_call(
        body,
        grid=(g,),
        in_specs=[pl.BlockSpec((rb, F), _im("i", "z")),
                  pl.BlockSpec((F, F), _im("z", "z"))],
        out_specs=pl.BlockSpec((rb, F), _im("i", "z")),
        out_shape=jax.ShapeDtypeStruct((npad, F), jnp.float32),
    )(xp, jnp.broadcast_to(p[:, None], (F, F)))


def _tc_scale_rows(xg, vals_full, kpad):
    rb = 1280
    g = kpad // rb

    def body(x_ref, v_ref, o_ref):
        o_ref[...] = x_ref[...] * v_ref[...]

    return pl.pallas_call(
        body,
        grid=(g,),
        in_specs=[pl.BlockSpec((rb, F), _im("i", "z")),
                  pl.BlockSpec((rb, F), _im("i", "z"))],
        out_specs=pl.BlockSpec((rb, F), _im("i", "z")),
        out_shape=jax.ShapeDtypeStruct((kpad, F), jnp.float32),
    )(xg, vals_full)



def _level(xp, srcp, dstp, src, dst, Ws, p, n, npad, kpad):
    deg = _sc_deg(dstp, npad=npad).reshape(NW, npad).sum(0)[:n]
    norm = lax.rsqrt(deg + 1.0)
    nn = norm * norm
    nn_full = jnp.broadcast_to(
        jnp.concatenate([nn, jnp.zeros(npad - n, jnp.float32)])[:, None],
        (npad, F))
    coef = norm[src] * norm[dst]

    srcflat = srcp.reshape(EPAD)
    xc = xp
    for W in Ws:
        h = _tc_mm(xc, W, npad)
        hsrc = _sc_gather_rows_big(h, srcflat, kpad=EPAD)[:E]
        agg = jax.ops.segment_sum(hsrc * coef[:, None], dst,
                                  num_segments=n)
        aggp = jnp.concatenate([agg, jnp.zeros((npad - n, F), jnp.float32)])
        xc = _tc_combine(aggp, h, nn_full, npad, relu=True)

    scores = _tc_tanh_matvec(xc, p, npad)[:n, 0]
    degp = jnp.maximum(deg, 1.0)
    for _ in range(2):
        scores = 0.5 * scores + 0.5 * jax.ops.segment_sum(
            scores[src], dst, num_segments=n) / degp

    kk = n // 2
    vals, idx = lax.top_k(scores, kk)

    idxp = jnp.concatenate([idx.astype(jnp.int32),
                            jnp.zeros(kpad - kk, jnp.int32)])
    valsp = jnp.concatenate([vals, jnp.zeros(kpad - kk, jnp.float32)])
    vals_full = jnp.broadcast_to(valsp[:, None], (kpad, F))

    xg = _sc_gather_rows(xc, idxp, kpad=kpad)
    xnew = _tc_scale_rows(xg, vals_full, kpad)
    einew = _sc_remap(srcp, dstp, idxp, npad=npad, kk=kk, kpad=kpad,
                      sent=kpad - 1)
    return xc, xnew, einew, idx


def kernel(x, edge_index, Wg0_0, Wg0_1, Wg1_0, Wg1_1, p0, p1):
    ei32 = edge_index.astype(jnp.int32)
    npad0, npad1, npad2 = 10240, 5120, 2560

    src0p = jnp.concatenate(
        [ei32[0], jnp.zeros(EPAD - E, jnp.int32)]).reshape(EPADR, 128)
    dst0p = jnp.concatenate(
        [ei32[1], jnp.full(EPAD - E, npad0 - 1, jnp.int32)]).reshape(EPADR, 128)
    x0 = jnp.concatenate(
        [x.astype(jnp.float32), jnp.zeros((npad0 - x.shape[0], F), jnp.float32)])

    x2_0, xnew0, ei1p, idx0 = _level(
        x0, src0p, dst0p, edge_index[0], edge_index[1],
        [Wg0_0, Wg0_1], p0, n=10000, npad=npad0, kpad=npad1)
    ei1_flat = ei1p.reshape(2, EPAD)[:, :E]
    src1 = ei1_flat[0].astype(edge_index.dtype)
    dst1 = ei1_flat[1].astype(edge_index.dtype)
    x2_1, xnew1, ei2p, idx1 = _level(
        xnew0, ei1p[0], ei1p[1], src1, dst1,
        [Wg1_0, Wg1_1], p1, n=5000, npad=npad1, kpad=npad2)

    eidt = edge_index.dtype
    ei1 = ei1_flat.astype(eidt)
    ei2 = ei2p.reshape(2, EPAD)[:, :E].astype(eidt)
    return (xnew1[:2500], x2_0[:10000], x2_1[:5000],
            edge_index, ei1, ei2, idx0, idx1)

# --- scband reference (transcript-rebuilt; emitter-appended) ---
"""Pipeline reference for scband-coarsen-22754736735002 (READ-ONLY COPY).

The authoritative reference and input builder live on the scoring server;
editing this copy changes nothing except your own understanding.
"""

import jax
jax.config.update("jax_enable_x64", True)
import jax.numpy as jnp
import numpy as np

N = 10000
E = 320000
F = 128
H = 128
COARSE_LAYERS = 2
NUM_LAYERS = 2
EGO_RANGE = 2


def setup_inputs(seed: int = 0) -> dict:
    key = jax.random.key(seed)
    ks = jax.random.split(key, 10)
    x = jax.random.normal(ks[0], (N, F), dtype=jnp.float32)
    edge_index = jax.random.randint(ks[1], (2, E), 0, N, dtype=jnp.int64)
    # GCN stack 0: layer0 F->H, layer1 H->H
    Wg0_0 = jax.random.normal(ks[2], (F, H), dtype=jnp.float32) * 0.05
    Wg0_1 = jax.random.normal(ks[3], (H, H), dtype=jnp.float32) * 0.05
    # GCN stack 1: both H->H (input after first coarsening is hidden_size)
    Wg1_0 = jax.random.normal(ks[4], (H, H), dtype=jnp.float32) * 0.05
    Wg1_1 = jax.random.normal(ks[5], (H, H), dtype=jnp.float32) * 0.05
    # Pooling score vectors
    p0 = jax.random.normal(ks[6], (H,), dtype=jnp.float32) * 0.05
    p1 = jax.random.normal(ks[7], (H,), dtype=jnp.float32) * 0.05
    return {"x": x, "edge_index": edge_index, "Wg0_0": Wg0_0, "Wg0_1": Wg0_1,
            "Wg1_0": Wg1_0, "Wg1_1": Wg1_1, "p0": p0, "p1": p1}


def _gcn_conv(x, src, dst, W, n):
    h = x @ W
    ones = jnp.ones(src.shape[0], dtype=x.dtype)
    deg = jax.ops.segment_sum(ones, dst, num_segments=n) + 1.0
    norm = jax.lax.rsqrt(deg)
    coef = norm[src] * norm[dst]
    agg = jax.ops.segment_sum(h[src] * coef[:, None], dst, num_segments=n)
    return agg + h * (norm * norm)[:, None]


def _gcn(x, src, dst, Ws, n):
    for i, W in enumerate(Ws):
        x = _gcn_conv(x, src, dst, W, n)
        if i < len(Ws) - 1:
            x = jax.nn.relu(x)
    return x


def _pooling(x, edge_index, p, n):
    src, dst = edge_index[0], edge_index[1]
    scores = jnp.tanh(x @ p)
    ones = jnp.ones(src.shape[0], dtype=x.dtype)
    deg = jnp.maximum(jax.ops.segment_sum(ones, dst, num_segments=n), 1.0)
    # ego-range score smoothing over neighborhoods
    for _ in range(EGO_RANGE):
        scores = 0.5 * scores + 0.5 * jax.ops.segment_sum(scores[src], dst, num_segments=n) / deg
    k = n // 2
    vals, idx = jax.lax.top_k(scores, k)
    x_new = x[idx] * vals[:, None]
    pos = jnp.full((n,), -1, dtype=src.dtype).at[idx].set(jnp.arange(k, dtype=src.dtype))
    s2 = pos[src]
    d2 = pos[dst]
    valid = (s2 >= 0) & (d2 >= 0)
    new_ei = jnp.where(valid[None, :], jnp.stack([s2, d2]), 0)
    return x_new, new_ei, idx, vals


def reference(x, edge_index, Wg0_0, Wg0_1, Wg1_0, Wg1_1, p0, p1):
    Ws = [[Wg0_0, Wg0_1], [Wg1_0, Wg1_1]]
    ps = [p0, p1]
    x_list = []
    ei_list = [edge_index]
    S_list = []
    ei = edge_index
    n = x.shape[0]
    for i in range(COARSE_LAYERS):
        src, dst = ei[0], ei[1]
        x = _gcn(x, src, dst, Ws[i], n)
        x = jax.nn.relu(x)  # activate_function
        # dropout is identity in eval mode
        x_list.append(x)
        x, ei, S, _ = _pooling(x, ei, ps[i], n)
        n = x.shape[0]
        S_list.append(S)
        ei_list.append(ei)
    return (x, x_list[0], x_list[1], ei_list[0], ei_list[1], ei_list[2], S_list[0], S_list[1])

if __name__ == "__main__":
    import jax
    _d = setup_inputs()
    print(jax.jit(kernel)(*tuple(_d.values())))

</pallas_src>

<mosaic_0001>
#map = affine_map<(d0, d1) -> (0, 0)>
#map1 = affine_map<(d0, d1) -> (0)>
module attributes {stable_mosaic.version = 14 : i64} {
  func.func @k(%arg0: i32, %arg1: i32, %arg2: memref<2560x128xi32, #tpu.memory_space<hbm>>, %arg3: memref<327680xf32, #tpu.memory_space<hbm>>, %arg4: memref<80x128xi32, #tpu.memory_space<vmem>>, %arg5: memref<10240xf32, #tpu.memory_space<vmem>>) attributes {dimension_semantics = [#tpu.dimension_semantics<core_parallel>, #tpu.dimension_semantics<subcore_parallel>], iteration_bounds = array<i64: 2, 16>, scalar_prefetch = 0 : i64, scratch_operands = 2 : i64, tpu.core_type = #tpu.core_type<sc_vector_subcore>, window_params = [{transform_indices = #map}, {transform_indices = #map1}]} {
    %mul3A = arith.constant 2 : i32
    %mul3A_0 = arith.muli %arg1, %mul3A : i32
    %add3A = arith.addi %mul3A_0, %arg0 : i32
    %mul3A_1 = arith.constant 80 : i32
    %mul3A_2 = arith.muli %add3A, %mul3A_1 : i32
    "tpu.region"() ({
      %run_scoped3A = tpu.sem_alloc : memref<!tpu.dma_semaphore, #tpu.memory_space<semaphore_mem>>
      %dma_start3A = arith.constant 0 : i32
      %dma_start3A_43 = tpu.memref_slice %arg2[%mul3A_2, %dma_start3A] : memref<2560x128xi32, #tpu.memory_space<hbm>> -> memref<80x128xi32, #tpu.memory_space<hbm>>
      %dma_start3A_44 = arith.constant 0 : i32
      %dma_start3A_45 = tpu.memref_slice %arg2[%mul3A_2, %dma_start3A_44] : memref<2560x128xi32, #tpu.memory_space<hbm>> -> memref<80x128xi32, #tpu.memory_space<hbm>>
      tpu.enqueue_dma source(%dma_start3A_45 : memref<80x128xi32, #tpu.memory_space<hbm>>) target(%arg4 : memref<80x128xi32, #tpu.memory_space<vmem>>) target_semaphore(%run_scoped3A : memref<!tpu.dma_semaphore, #tpu.memory_space<semaphore_mem>>)
      %dma_wait3A = arith.constant 0 : i32
      %dma_wait3A_46 = tpu.memref_slice %arg2[%mul3A_2, %dma_wait3A] : memref<2560x128xi32, #tpu.memory_space<hbm>> -> memref<80x128xi32, #tpu.memory_space<hbm>>
      %dma_wait3A_47 = arith.constant 0 : i32
      %dma_wait3A_48 = tpu.memref_slice %arg2[%mul3A_2, %dma_wait3A_47] : memref<2560x128xi32, #tpu.memory_space<hbm>> -> memref<80x128xi32, #tpu.memory_space<hbm>>
      tpu.wait_dma2 semaphore(%run_scoped3A : memref<!tpu.dma_semaphore, #tpu.memory_space<semaphore_mem>>) src(%dma_wait3A_48 : memref<80x128xi32, #tpu.memory_space<hbm>>) dst(%arg4 : memref<80x128xi32, #tpu.memory_space<vmem>>)
      tpu.yield
    }) : () -> ()
    %sub3A = arith.constant 640 : i32
    %sub3A_3 = arith.constant 0 : i32
    %sub3A_4 = arith.subi %sub3A, %sub3A_3 : i32
    %sub3A_5 = arith.constant 1 : i32
    %sub3A_6 = arith.constant 1 : i32
    %sub3A_7 = arith.subi %sub3A_5, %sub3A_6 : i32
    %add3A_8 = arith.addi %sub3A_4, %sub3A_7 : i32
    %div3A = arith.constant 1 : i32
    %div3A_9 = arith.divsi %add3A_8, %div3A : i32
    %while3A = arith.constant 1 : i32
    %while3A_10 = arith.constant 0 : i32
    %while3A_11 = arith.constant 0 : i32
    %while3A_12 = arith.subi %div3A_9, %while3A_11 : i32
    %while3A_13 = arith.addi %while3A_11, %while3A_12 : i32
    %while3A_14 = arith.constant 1 : i32
    %while3A_15 = arith.divsi %while3A_12, %while3A_14 : i32
    %while3A_16 = arith.muli %while3A_15, %while3A_14 : i32
    %while3A_17 = arith.addi %while3A_11, %while3A_16 : i32
    %while3A_18 = arith.constant 1 : i32
    scf.for %while3A_43 = %while3A_11 to %while3A_17 step %while3A_18  : i32 {
      %mul3A_44 = arith.muli %while3A_43, %while3A : i32
      %add3A_45 = arith.addi %while3A_10, %mul3A_44 : i32
      %broadcast_in_dim3A_46 = arith.constant 0.000000e+00 : f32
      %broadcast_in_dim3A_47 = vector.broadcast %broadcast_in_dim3A_46 : f32 to vector<16xf32>
      %mul3A_48 = arith.constant 16 : i32
      %mul3A_49 = arith.muli %add3A_45, %mul3A_48 : i32
      %swap3A = arith.index_cast %mul3A_49 : i32 to index
      %swap3A_50 = tpu.vector_load %arg5[%swap3A] {strides = array<i32>} : memref<10240xf32, #tpu.memory_space<vmem>>, vector<16xf32>,
      tpu.vector_store %arg5[%swap3A], %broadcast_in_dim3A_47 {strides = array<i32>} : memref<10240xf32, #tpu.memory_space<vmem>>, vector<16xf32>,
    }
    %while3A_19 = arith.constant 1 : i32
    scf.for %while3A_43 = %while3A_17 to %while3A_13 step %while3A_19  : i32 {
      %mul3A_44 = arith.muli %while3A_43, %while3A : i32
      %add3A_45 = arith.addi %while3A_10, %mul3A_44 : i32
      %broadcast_in_dim3A_46 = arith.constant 0.000000e+00 : f32
      %broadcast_in_dim3A_47 = vector.broadcast %broadcast_in_dim3A_46 : f32 to vector<16xf32>
      %mul3A_48 = arith.constant 16 : i32
      %mul3A_49 = arith.muli %add3A_45, %mul3A_48 : i32
      %swap3A = arith.index_cast %mul3A_49 : i32 to index
      %swap3A_50 = tpu.vector_load %arg5[%swap3A] {strides = array<i32>} : memref<10240xf32, #tpu.memory_space<vmem>>, vector<16xf32>,
      tpu.vector_store %arg5[%swap3A], %broadcast_in_dim3A_47 {strides = array<i32>} : memref<10240xf32, #tpu.memory_space<vmem>>, vector<16xf32>,
    }
    %broadcast_in_dim3A = arith.constant 1.000000e+00 : f32
    %broadcast_in_dim3A_20 = vector.broadcast %broadcast_in_dim3A : f32 to vector<16xf32>
    %sub3A_21 = arith.constant 80 : i32
    %sub3A_22 = arith.constant 0 : i32
    %sub3A_23 = arith.subi %sub3A_21, %sub3A_22 : i32
    %sub3A_24 = arith.constant 1 : i32
    %sub3A_25 = arith.constant 1 : i32
    %sub3A_26 = arith.subi %sub3A_24, %sub3A_25 : i32
    %add3A_27 = arith.addi %sub3A_23, %sub3A_26 : i32
    %div3A_28 = arith.constant 1 : i32
    %div3A_29 = arith.divsi %add3A_27, %div3A_28 : i32
    %while3A_30 = arith.constant 1 : i32
    %while3A_31 = arith.constant 0 : i32
    %while3A_32 = arith.constant 0 : i32
    %while3A_33 = arith.subi %div3A_29, %while3A_32 : i32
    %while3A_34 = arith.addi %while3A_32, %while3A_33 : i32
    %while3A_35 = arith.constant 1 : i32
    %while3A_36 = arith.divsi %while3A_33, %while3A_35 : i32
    %while3A_37 = arith.muli %while3A_36, %while3A_35 : i32
    %while3A_38 = arith.addi %while3A_32, %while3A_37 : i32
    %while3A_39 = arith.constant 1 : i32
    scf.for %while3A_43 = %while3A_32 to %while3A_38 step %while3A_39  : i32 {
      %mul3A_44 = arith.muli %while3A_43, %while3A_30 : i32
      %add3A_45 = arith.addi %while3A_31, %mul3A_44 : i32
      %get3A = arith.index_cast %add3A_45 : i32 to index
      %get3A_46 = arith.constant 0 : index
      %get3A_47 = tpu.vector_load %arg4[%get3A, %get3A_46] {strides = array<i32>} : memref<80x128xi32, #tpu.memory_space<vmem>>, vector<16xi32>,
      tpu.vector_store_idx %arg5[%get3A_47], %broadcast_in_dim3A_20 {add = true} : memref<10240xf32, #tpu.memory_space<vmem>>[vector<16xi32>], vector<16xf32>,
      %get3A_48 = arith.index_cast %add3A_45 : i32 to index
      %get3A_49 = arith.constant 16 : index
      %get3A_50 = tpu.vector_load %arg4[%get3A_48, %get3A_49] {strides = array<i32>} : memref<80x128xi32, #tpu.memory_space<vmem>>, vector<16xi32>,
      tpu.vector_store_idx %arg5[%get3A_50], %broadcast_in_dim3A_20 {add = true} : memref<10240xf32, #tpu.memory_space<vmem>>[vector<16xi32>], vector<16xf32>,
      %get3A_51 = arith.index_cast %add3A_45 : i32 to index
      %get3A_52 = arith.constant 32 : index
      %get3A_53 = tpu.vector_load %arg4[%get3A_51, %get3A_52] {strides = array<i32>} : memref<80x128xi32, #tpu.memory_space<vmem>>, vector<16xi32>,
      tpu.vector_store_idx %arg5[%get3A_53], %broadcast_in_dim3A_20 {add = true} : memref<10240xf32, #tpu.memory_space<vmem>>[vector<16xi32>], vector<16xf32>,
      %get3A_54 = arith.index_cast %add3A_45 : i32 to index
      %get3A_55 = arith.constant 48 : index
      %get3A_56 = tpu.vector_load %arg4[%get3A_54, %get3A_55] {strides = array<i32>} : memref<80x128xi32, #tpu.memory_space<vmem>>, vector<16xi32>,
      tpu.vector_store_idx %arg5[%get3A_56], %broadcast_in_dim3A_20 {add = true} : memref<10240xf32, #tpu.memory_space<vmem>>[vector<16xi32>], vector<16xf32>,
      %get3A_57 = arith.index_cast %add3A_45 : i32 to index
      %get3A_58 = arith.constant 64 : index
      %get3A_59 = tpu.vector_load %arg4[%get3A_57, %get3A_58] {strides = array<i32>} : memref<80x128xi32, #tpu.memory_space<vmem>>, vector<16xi32>,
      tpu.vector_store_idx %arg5[%get3A_59], %broadcast_in_dim3A_20 {add = true} : memref<10240xf32, #tpu.memory_space<vmem>>[vector<16xi32>], vector<16xf32>,
      %get3A_60 = arith.index_cast %add3A_45 : i32 to index
      %get3A_61 = arith.constant 80 : index
      %get3A_62 = tpu.vector_load %arg4[%get3A_60, %get3A_61] {strides = array<i32>} : memref<80x128xi32, #tpu.memory_space<vmem>>, vector<16xi32>,
      tpu.vector_store_idx %arg5[%get3A_62], %broadcast_in_dim3A_20 {add = true} : memref<10240xf32, #tpu.memory_space<vmem>>[vector<16xi32>], vector<16xf32>,
      %get3A_63 = arith.index_cast %add3A_45 : i32 to index
      %get3A_64 = arith.constant 96 : index
      %get3A_65 = tpu.vector_load %arg4[%get3A_63, %get3A_64] {strides = array<i32>} : memref<80x128xi32, #tpu.memory_space<vmem>>, vector<16xi32>,
      tpu.vector_store_idx %arg5[%get3A_65], %broadcast_in_dim3A_20 {add = true} : memref<10240xf32, #tpu.memory_space<vmem>>[vector<16xi32>], vector<16xf32>,
      %get3A_66 = arith.index_cast %add3A_45 : i32 to index
      %get3A_67 = arith.constant 112 : index
      %get3A_68 = tpu.vector_load %arg4[%get3A_66, %get3A_67] {strides = array<i32>} : memref<80x128xi32, #tpu.memory_space<vmem>>, vector<16xi32>,
      tpu.vector_store_idx %arg5[%get3A_68], %broadcast_in_dim3A_20 {add = true} : memref<10240xf32, #tpu.memory_space<vmem>>[vector<16xi32>], vector<16xf32>,
    }
    %while3A_40 = arith.constant 1 : i32
    scf.for %while3A_43 = %while3A_38 to %while3A_34 step %while3A_40  : i32 {
      %mul3A_44 = arith.muli %while3A_43, %while3A_30 : i32
      %add3A_45 = arith.addi %while3A_31, %mul3A_44 : i32
      %get3A = arith.index_cast %add3A_45 : i32 to index
      %get3A_46 = arith.constant 0 : index
      %get3A_47 = tpu.vector_load %arg4[%get3A, %get3A_46] {strides = array<i32>} : memref<80x128xi32, #tpu.memory_space<vmem>>, vector<16xi32>,
      tpu.vector_store_idx %arg5[%get3A_47], %broadcast_in_dim3A_20 {add = true} : memref<10240xf32, #tpu.memory_space<vmem>>[vector<16xi32>], vector<16xf32>,
      %get3A_48 = arith.index_cast %add3A_45 : i32 to index
      %get3A_49 = arith.constant 16 : index
      %get3A_50 = tpu.vector_load %arg4[%get3A_48, %get3A_49] {strides = array<i32>} : memref<80x128xi32, #tpu.memory_space<vmem>>, vector<16xi32>,
      tpu.vector_store_idx %arg5[%get3A_50], %broadcast_in_dim3A_20 {add = true} : memref<10240xf32, #tpu.memory_space<vmem>>[vector<16xi32>], vector<16xf32>,
      %get3A_51 = arith.index_cast %add3A_45 : i32 to index
      %get3A_52 = arith.constant 32 : index
      %get3A_53 = tpu.vector_load %arg4[%get3A_51, %get3A_52] {strides = array<i32>} : memref<80x128xi32, #tpu.memory_space<vmem>>, vector<16xi32>,
      tpu.vector_store_idx %arg5[%get3A_53], %broadcast_in_dim3A_20 {add = true} : memref<10240xf32, #tpu.memory_space<vmem>>[vector<16xi32>], vector<16xf32>,
      %get3A_54 = arith.index_cast %add3A_45 : i32 to index
      %get3A_55 = arith.constant 48 : index
      %get3A_56 = tpu.vector_load %arg4[%get3A_54, %get3A_55] {strides = array<i32>} : memref<80x128xi32, #tpu.memory_space<vmem>>, vector<16xi32>,
      tpu.vector_store_idx %arg5[%get3A_56], %broadcast_in_dim3A_20 {add = true} : memref<10240xf32, #tpu.memory_space<vmem>>[vector<16xi32>], vector<16xf32>,
      %get3A_57 = arith.index_cast %add3A_45 : i32 to index
      %get3A_58 = arith.constant 64 : index
      %get3A_59 = tpu.vector_load %arg4[%get3A_57, %get3A_58] {strides = array<i32>} : memref<80x128xi32, #tpu.memory_space<vmem>>, vector<16xi32>,
      tpu.vector_store_idx %arg5[%get3A_59], %broadcast_in_dim3A_20 {add = true} : memref<10240xf32, #tpu.memory_space<vmem>>[vector<16xi32>], vector<16xf32>,
      %get3A_60 = arith.index_cast %add3A_45 : i32 to index
      %get3A_61 = arith.constant 80 : index
      %get3A_62 = tpu.vector_load %arg4[%get3A_60, %get3A_61] {strides = array<i32>} : memref<80x128xi32, #tpu.memory_space<vmem>>, vector<16xi32>,
      tpu.vector_store_idx %arg5[%get3A_62], %broadcast_in_dim3A_20 {add = true} : memref<10240xf32, #tpu.memory_space<vmem>>[vector<16xi32>], vector<16xf32>,
      %get3A_63 = arith.index_cast %add3A_45 : i32 to index
      %get3A_64 = arith.constant 96 : index
      %get3A_65 = tpu.vector_load %arg4[%get3A_63, %get3A_64] {strides = array<i32>} : memref<80x128xi32, #tpu.memory_space<vmem>>, vector<16xi32>,
      tpu.vector_store_idx %arg5[%get3A_65], %broadcast_in_dim3A_20 {add = true} : memref<10240xf32, #tpu.memory_space<vmem>>[vector<16xi32>], vector<16xf32>,
      %get3A_66 = arith.index_cast %add3A_45 : i32 to index
      %get3A_67 = arith.constant 112 : index
      %get3A_68 = tpu.vector_load %arg4[%get3A_66, %get3A_67] {strides = array<i32>} : memref<80x128xi32, #tpu.memory_space<vmem>>, vector<16xi32>,
      tpu.vector_store_idx %arg5[%get3A_68], %broadcast_in_dim3A_20 {add = true} : memref<10240xf32, #tpu.memory_space<vmem>>[vector<16xi32>], vector<16xf32>,
    }
    %mul3A_41 = arith.constant 10240 : i32
    %mul3A_42 = arith.muli %add3A, %mul3A_41 : i32
    "tpu.region"() ({
      %run_scoped3A = tpu.sem_alloc : memref<!tpu.dma_semaphore, #tpu.memory_space<semaphore_mem>>
      %dma_start3A = tpu.memref_slice %arg3[%mul3A_42] : memref<327680xf32, #tpu.memory_space<hbm>> -> memref<10240xf32, #tpu.memory_space<hbm>>
      %dma_start3A_43 = tpu.memref_slice %arg3[%mul3A_42] : memref<327680xf32, #tpu.memory_space<hbm>> -> memref<10240xf32, #tpu.memory_space<hbm>>
      tpu.enqueue_dma source(%arg5 : memref<10240xf32, #tpu.memory_space<vmem>>) target(%dma_start3A_43 : memref<10240xf32, #tpu.memory_space<hbm>>) target_semaphore(%run_scoped3A : memref<!tpu.dma_semaphore, #tpu.memory_space<semaphore_mem>>)
      %dma_wait3A = tpu.memref_slice %arg3[%mul3A_42] : memref<327680xf32, #tpu.memory_space<hbm>> -> memref<10240xf32, #tpu.memory_space<hbm>>
      %dma_wait3A_44 = tpu.memref_slice %arg3[%mul3A_42] : memref<327680xf32, #tpu.memory_space<hbm>> -> memref<10240xf32, #tpu.memory_space<hbm>>
      tpu.wait_dma2 semaphore(%run_scoped3A : memref<!tpu.dma_semaphore, #tpu.memory_space<semaphore_mem>>) src(%arg5 : memref<10240xf32, #tpu.memory_space<vmem>>) dst(%dma_wait3A_44 : memref<10240xf32, #tpu.memory_space<hbm>>)
      tpu.yield
    }) : () -> ()
    return
  }
}

</mosaic_0001>

<sc_bundles>
// kernel: _sc_deg.3.cloned.1.call-start
scs
__scs_entry_jumppad:
0x0: {  	(pc) =	sbr.rel $0x88, $3  }
0x1: {  	(tag) =	ssettag $0x0;
	lr =	simm.s32 $0x1  }
0x2: {  	[smem:$0x3FA0] =	sst lr;
	_ =	strace $0xD0000000  }
0x3: {  	_ = 	snop  }
0x4: {  	_ = 	snop  }
0x5: {  	_ = 	snop  }
0x6: {  	_ = 	snop  }
0x7: {  	_ = 	snop  }
__scs_overlays_trampoline_lowered:
0x8: {  	[smem:$0x3FAF] =	sst s0  }
0x9: {  	[smem:$0x3FB0] =	sst s1  }
0xa: {  	[smem:$0x3FB1] =	sst s2  }
0xb: {  	[smem:$0x3FB2] =	sst s3  }
0xc: {  	[smem:$0x3FB3] =	sst s4  }
0xd: {  	[smem:$0x3FB4] =	sst s5  }
0xe: {  	[smem:$0x3FB5] =	sst s6  }
0xf: {  	[smem:$0x3FB6] =	sst s7  }
0x10: {  	[smem:$0x3FB7] =	sst s8  }
0x11: {  	[smem:$0x3FB8] =	sst s9;
	s0 =	simm.s32 @!p0 $0x0  }
0x12: {  	s1 =	sld [smem:$0x3F9E];
	s0 =	simm.s32 @p0 $0x1  }
0x13: {  	[smem:$0x3FB9] =	sst s0;
	s0 =	simm.s32 @!p1 $0x0  }
0x14: {  	s2 =	sld [smem:$0x3F9D];
	s0 =	simm.s32 @p1 $0x1  }
0x15: {  	[smem:$0x3FBA] =	sst s0;
	s0 =	simm.s32 @!p2 $0x0  }
0x16: {  	s3 =	sld [smem:$0x3FDB];
	s0 =	simm.s32 @p2 $0x1  }
0x17: {  	s4 =	simm.s32 $0x1BF5;
	[smem:$0x3FBC] =	sst s0  }
0x18: {  	s0 =	sld [smem:$0x3F9F];
	_ =	swait.ge [sflag:s4], $0x0  }
0x19: {  	s7 =	sld [smem:$0x3FA0]  }
0x1a: {  	s8 =	sadd.s32 $0xFFFFE003, lr  }
0x1b: {  	s9 =	sadd.s32 $0xFFFFFEF7, lr;
	s5 =	simm.s32 $0xFFFFFFFF;
	p2 =	slt.u32 s8, $0xFFFFF086  }
0x1c: {  	p1 =	slt.u32 s9, $0xF7A;
	s5 =	simm.s32 @!p2 $0x0  }
0x1d: {  	s5 =	simm.s32 @p1 $0x1;
	p0 =	seq.s32 s7, s2  }
0x1e: {  	s7 =	smul.u32 @!p0 $0xF7A, s2;
	p2 =	seq.s32 @!p0 s5, $0x0  }
0x1f: {  	s9 =	smul.u32 $0xF7A, s1;
	s8 =	simm.s32 @!p0 $0x1BF5;
	p2 =	por !p2, p0  }
0x20: {  	[sflag:s8] =	ssyncset.s32 @!p0 $0xFFFFF086;
	s6 =	sadd.s32 @!p0 s3, s7;
	s7 =	simm.s32 @!p0 $0x108  }
0x21: {  	s3 =	sadd.s32 s3, s9;
	s6 =	sadd.s32 @!p0 $0x88, s6;
	s7 =	simm.s32 @p2 $0x1082  }
0x22: {  	[simem:s7], [sflag:s8] =	dma.local @!p0 [hbm:s6], $0xF7A  }
0x23: {  	s9 =	sor.u32 $0xD0000000, s2;
	s6 =	simm.s32 $0x108;
	_ =	swait.ge @!p0 [sflag:s8], $0x0  }
0x24: {  	s3 =	sadd.s32 $0x88, s3;
	s6 =	simm.s32 @!p1 $0x1082;
	[sflag:s4] =	ssyncset.s32 $0xFFFFF086  }
0x25: {  	[simem:s6], [sflag:s4] =	dma.local [hbm:s3], $0xF7A  }
0x26: {  	[smem:$0x3FA0] =	sst s1;
	(tag) =	ssettag s2;
	_ =	strace s9  }
0x27: {  	s1 =	sld [smem:$0x3FB0]  }
0x28: {  	s2 =	sld [smem:$0x3FB1]  }
0x29: {  	s4 =	sld [smem:$0x3FB3]  }
0x2a: {  	p0 =	seq.s32 s5, $0x0;
	s5 =	sld [smem:$0x3FB4]  }
0x2b: {  	s6 =	sld [smem:$0x3FB5]  }
0x2c: {  	s7 =	sld [smem:$0x3FB6]  }
0x2d: {  	s3 =	simm.s32 $0x108;
	s8 =	sld [smem:$0x3FB7]  }
0x2e: {  	s3 =	simm.s32 @!p0 $0x1082;
	s9 =	sld [smem:$0x3FB8]  }
0x2f: {  	lr =	sadd.s32 s0, s3;
	s0 =	sld [smem:$0x3FAF]  }
0x30: {  	s3 =	sld [smem:$0x3FB2]  }
0x31: {  	[smem:$0x3FBB] =	sst s10  }
0x32: {  	s10 =	sld [smem:$0x3FB9];
	_ =	sdelay $0x3  }
0x33: {  	p0 =	seq.s32 s10, $0x1;
	s10 =	sld [smem:$0x3FBB];
	_ =	sdelay $0x3  }
0x34: {  	[smem:$0x3FBB] =	sst s10  }
0x35: {  	s10 =	sld [smem:$0x3FBA];
	_ =	sdelay $0x3  }
0x36: {  	p1 =	seq.s32 s10, $0x1;
	s10 =	sld [smem:$0x3FBB];
	_ =	sdelay $0x3  }
0x37: {  	[smem:$0x3FBB] =	sst s10  }
0x38: {  	s10 =	sld [smem:$0x3FBC]  }
0x39: {  	_ = 	snop;
	(pc) =	sbr.ind lr, $3  }
0x3a: {  	_ = 	snop  }
0x3b: {  	_ = 	snop  }
0x3c: {  	p2 =	seq.s32 s10, $0x1;
	s10 =	sld [smem:$0x3FBB]  }
0x3d: {  	_ =	shalt  }
0x3e: {  	_ =	shalt  }
0x3f: {  	_ =	shalt  }
0x40: {  	_ =	shalt  }
0x41: {  	_ =	shalt  }
0x42: {  	_ =	shalt  }
0x43: {  	_ =	shalt  }
0x44: {  	_ =	shalt  }
0x45: {  	_ =	shalt  }
0x46: {  	_ =	shalt  }
0x47: {  	_ =	shalt  }
0x48: {  	_ =	shalt  }
0x49: {  	_ =	shalt  }
0x4a: {  	_ =	shalt  }
0x4b: {  	_ =	shalt  }
0x4c: {  	_ =	shalt  }
0x4d: {  	_ =	shalt  }
0x4e: {  	_ =	shalt  }
0x4f: {  	_ =	shalt  }
0x50: {  	_ =	shalt  }
0x51: {  	_ =	shalt  }
0x52: {  	_ =	shalt  }
0x53: {  	_ =	shalt  }
0x54: {  	_ =	shalt  }
0x55: {  	_ =	shalt  }
0x56: {  	_ =	shalt  }
0x57: {  	_ =	shalt  }
0x58: {  	_ =	shalt  }
0x59: {  	_ =	shalt  }
0x5a: {  	_ =	shalt  }
0x5b: {  	_ =	shalt  }
0x5c: {  	_ =	shalt  }
0x5d: {  	_ =	shalt  }
0x5e: {  	_ =	shalt  }
0x5f: {  	_ =	shalt  }
0x60: {  	_ =	shalt  }
0x61: {  	_ =	shalt  }
0x62: {  	_ =	shalt  }
0x63: {  	_ =	shalt  }
0x64: {  	_ =	shalt  }
0x65: {  	_ =	shalt  }
0x66: {  	_ =	shalt  }
0x67: {  	_ =	shalt  }
0x68: {  	_ =	shalt  }
0x69: {  	_ =	shalt  }
0x6a: {  	_ =	shalt  }
0x6b: {  	_ =	shalt  }
0x6c: {  	_ =	shalt  }
0x6d: {  	_ =	shalt  }
0x6e: {  	_ =	shalt  }
0x6f: {  	_ =	shalt  }
0x70: {  	_ =	shalt  }
0x71: {  	_ =	shalt  }
0x72: {  	_ =	shalt  }
0x73: {  	_ =	shalt  }
0x74: {  	_ =	shalt  }
0x75: {  	_ =	shalt  }
0x76: {  	_ =	shalt  }
0x77: {  	_ =	shalt  }
0x78: {  	_ =	shalt  }
0x79: {  	_ =	shalt  }
0x7a: {  	_ =	shalt  }
0x7b: {  	_ =	shalt  }
0x7c: {  	_ =	shalt  }
0x7d: {  	_ =	shalt  }
0x7e: {  	_ =	shalt  }
0x7f: {  	_ =	shalt  }
0x80: {  	_ =	shalt  }
0x81: {  	_ =	shalt  }
0x82: {  	_ =	shalt  }
0x83: {  	_ =	shalt  }
0x84: {  	_ =	shalt  }
0x85: {  	_ =	shalt  }
0x86: {  	_ =	shalt  }
0x87: {  	_ =	shalt  }
.Lfunc_end0:
.L_simem_size_0:
called_computation_lowered:
.L_overlay_start_0:
0x88: {  	s2 =	sld [smem:$0x3FD9]  }
0x89: {  	s3 =	sld [smem:$0x3FFE];
	_ =	sdelay $0x1  }
0x8a: {  	s1 =	srdreg.scid  }
0x8b: {  	s0 =	sand.u32 $0x1, s1  }
0x8c: {  	s18 =	sshll.u32 s0, $0xA;
	s2 =	sadd.s32 s3, s2  }
0x8d: {  	s2 =	sadd.s32 s2, s18  }
0x8e: {  	[smem:$0x3FC7] =	sst s2  }
0x8f: {  	_ = 	snop  }
0x90: {  	s2 =	sld [smem:$0x3FC9]  }
0x91: {  	s19 =	sld [smem:$0x3FD0];
	(tm) =	ssettm $0x1  }
0x92: {  	s4 =	sld [smem:$0x3FFB];
	_ =	sdelay $0x3  }
0x93: {  	_ =	strace s4  }
0x94: {  	s4 =	sld [smem:$0x3FFC];
	_ =	sdelay $0x3  }
0x95: {  	_ =	strace s4  }
0x96: {  	s4 =	sld [smem:$0x3FFD];
	_ =	sdelay $0x3  }
0x97: {  	_ =	strace s4  }
0x98: {  	_ =	strace $0x8FFFFFFF  }
0x99: {  	s20 =	sld [smem:$0x3FDB];
	_ =	sdelay $0x1  }
0x9a: {  	s5 =	simm.s32 $_scs_section_size  }
0x9b: {  	s6 =	simm.s32 $_size__tile_overlayer_lowered;
	s7 =	simm.s32 $_tile_overlayer_lowered  }
0x9c: {  	s23 =	simm.s32 $0x1BFF;
	s22 =	sshll.u32 s7, $0x1;
	s4 =	sadd.s32 s5, s20  }
0x9d: {  	s8 =	simm.s32 $0x0;
	s21 =	sshll.u32 s6, $0x1;
	s6 =	sadd.s32 s22, s4  }
0x9e: {  	[timem:s8], [sflag:s23] =	dma.local [hbm:s6], s21  }
0x9f: {  	_ =	swait.ge [sflag:s23], s21  }
0xa0: {  	s5 =	ssub.s32 $0x0, s21;
	[sflag:s23] =	ssyncset.done $0x0  }
0xa1: {  	[sflag:s23] =	ssyncadd.s32 s5;
	_ =	sdelay $0x1  }
0xa2: {  	s24 =	simm.s32 $0x1B8B  }
0xa3: {  	_ =	swait.ge [sflag:s24], $0x1  }
0xa4: {  	[sflag:s24] =	ssyncset.done $0x0  }
0xa5: {  	s25 =	simm.s32 $0x1B8E;
	[sflag:s24] =	ssyncadd.s32 $0xFFFFFFFF  }
0xa6: {  	s26 =	simm.s32 $execute0_lowered;
	[smem:$0x3FD2] =	sst s25  }
0xa7: {  	s5 =	sshll.u32 s26, $0x1;
	_ =	strace $0x80000046;
	[dreg:$0x1] =	wrdreg $0xFFFFFFFF  }
0xa8: {  	s28 =	simm.s32 $_size_execute0_lowered;
	s4 =	sadd.s32 s4, s5;
	[dreg:$0x0] =	wrdreg $0x0  }
0xa9: {  	s5 =	sshll.u32 s28, $0x1;
	[dreg:$0x2] =	wrdreg s4  }
0xaa: {  	[dreg:$0x3] =	wrdreg s5  }
0xab: {  	[dreg:$0x4] =	wrdreg $0xC0  }
0xac: {  	_ =	task [dreg:s8], $0x5FFFF  }
0xad: {  	[dreg:$0x1] =	wrdreg $0xFFFFFFFF  }
0xae: {  	[dreg:$0x0] =	wrdreg $0x60  }
0xaf: {  	[dreg:$0x2] =	wrdreg s2  }
0xb0: {  	[dreg:$0x3] =	wrdreg s19  }
0xb1: {  	[dreg:$0x4] =	wrdreg $0x9  }
0xb2: {  	_ =	task.clear_ibuf [dreg:s8], $0x5FFFF;
	_ =	strace $0x90000046  }
0xb3: {  	s29 =	simm.s32 $0x9;
	_ =	strace $0x80000048  }
0xb4: {  	_ =	swait.ge [sflag:s29], $0x1  }
0xb5: {  	[sflag:s29] =	ssyncadd.s32 $0xFFFFFFFF  }
0xb6: {  	_ =	strace $0x90000048  }
0xb7: {  	_ =	sfence  }
0xb8: {  	s30 =	sld [smem:$0x0];
	_ =	sdelay $0x2  }
0xb9: {  	s31 =	sshll.u32 s1, $0xD;
	s1 =	sshrl.u32 s1, $0x2  }
0xba: {  	s3 =	sand.u32 $0x4000, s31;
	s1 =	sadd.s32 s1, s30  }
0xbb: {  	s0 =	sor.u32 s3, s0;
	s1 =	sshll.u32 s1, $0x11  }
0xbc: {  	s0 =	sor.u32 s1, s0  }
0xbd: {  	s0 =	sadd.s32 $0x8F2B, s0  }
0xbe: {  	[sflag:s0] =	ssyncadd.remote.s32 $0x1  }
0xbf: {  	_ =	sfence.sel $0xFFFF  }
0xc0: {  	[dreg:$0x0] =	wrdreg $0xFFFFFFFF;
	(pc) =	sbr.abs _section_cstart, $3  }
0xc1: {  	[dreg:$0x1] =	wrdreg $0xFFFFFFFF  }
0xc2: {  	_ =	task.clear_ibuf [dreg:s8], $0x2FFFF;
	_ =	strace $0x9FFFFFFF  }
0xc3: {  	(tm) =	ssettm $0x7FFFFFFF  }
tec
execute0_lowered:
.L_overlay_start_1:
0x0: {  	(tag) =	ssettag $0x1  }
0x1: {  	s3 =	rddreg [dreg:$0x0]  }
0x2: {  	s4 =	rddreg [dreg:$0x1]  }
0x3: {  	s2 =	srdreg.scid;
	s1 =	stileid.u32  }
0x4: {  	s0 =	rddreg [dreg:$0x2];
	s5 =	sand.u32 $0x1, s2;
	s6 =	sshll.u32 s1, $0x1  }
0x5: {  	s2 =	simm.s32 $0x0;
	s7 =	ssub.s32 $0x2, s5;
	s5 =	sor.u32 s5, s6  }
0x6: {  	[smem:$0x7FF] =	sst s2;
	s5 =	smul.u32 $0x500, s5  }
0x7: {  	s8 =	simm.s32 $0x0;
	s31 =	sshrl.u32 s7, $0x1;
	_ =	strace $0x80000047  }
0x8: {  	s6 =	ssub.s32 s7, s31;
	s7 =	simm.s32 $0x2800;
	s3 =	sadd.s32 s3, s5  }
0x9: {  	v0 =	vimm.f32 $0.0e+00;
	v1 =	vimm.f32 $1.000000000e+00;
	s4 =	sadd.s32 s4, s5;
	s5 =	smax.u32 s6, $0x1;
	s6 =	simm.s32 $0x1  }
.LBB2_1:
0xa: {  	[tilespmem:s2], [sflag:$0x1] =	stream.linear.gather [hbm4b:s3+s2], $0x2800, $0x38;
	[tilespmem:$0x5000] =	vst v63  }
0xb: {  	_ =	swait.ge [sflag:s6], $0x2800  }
0xc: {  	[sflag:s6] =	ssyncset.done $0x0  }
0xd: {  	s9 =	simm.s32 $0x0;
	[sflag:s6] =	ssyncadd.s32 $0xFFFFD800  }
.LBB2_2:
0xe: {  	p0 =	sne.s32 s9, $0x9FC0  }
.Ltmp0:
0xf: {  	_ = 	snop;
	(pc) =	sbr.rel @p0 .LBB2_2-.Ltmp0, $3  }
0x10: {  	_ =	sdelay $0x1  }
0x11: {  	s10 =	sshra.s32 s9, $0x2  }
0x12: {  	s9 =	sadd.s32 $0x40, s9;
	[tilespmem:s10+$0x2800] =	vst v0  }
0x13: {  	s9 =	simm.s32 $0x0  }
.LBB2_4:
0x14: {  	s10 =	sshra.s32 s9, $0x2  }
0x15: {  	v2 =	vld [tilespmem:s10+$0x0];
	_ =	sdelay $0x7  }
0x16: {  	[tilespmem:v2+s7+$0x0] =	vst.idx.add.f32.msk $0xffff, v1  }
0x17: {  	v2 =	vld [tilespmem:s10+$0x10];
	_ =	sdelay $0x7  }
0x18: {  	[tilespmem:v2+s7+$0x0] =	vst.idx.add.f32.msk $0xffff, v1  }
0x19: {  	v2 =	vld [tilespmem:s10+$0x20];
	_ =	sdelay $0x7  }
0x1a: {  	[tilespmem:v2+s7+$0x0] =	vst.idx.add.f32.msk $0xffff, v1  }
0x1b: {  	v2 =	vld [tilespmem:s10+$0x30];
	_ =	sdelay $0x7  }
0x1c: {  	[tilespmem:v2+s7+$0x0] =	vst.idx.add.f32.msk $0xffff, v1  }
0x1d: {  	v2 =	vld [tilespmem:s10+$0x40];
	_ =	sdelay $0x7  }
0x1e: {  	[tilespmem:v2+s7+$0x0] =	vst.idx.add.f32.msk $0xffff, v1  }
0x1f: {  	v2 =	vld [tilespmem:s10+$0x50];
	_ =	sdelay $0x7  }
0x20: {  	[tilespmem:v2+s7+$0x0] =	vst.idx.add.f32.msk $0xffff, v1  }
0x21: {  	v2 =	vld [tilespmem:s10+$0x60];
	_ =	sdelay $0x7  }
0x22: {  	[tilespmem:v2+s7+$0x0] =	vst.idx.add.f32.msk $0xffff, v1  }
0x23: {  	v2 =	vld [tilespmem:s10+$0x70];
	_ =	sdelay $0x2  }
0x24: {  	p0 =	sne.s32 s9, $0x9E00  }
.Ltmp1:
0x25: {  	_ = 	snop;
	(pc) =	sbr.rel @p0 .LBB2_4-.Ltmp1, $2  }
0x26: {  	_ =	sdelay $0x2  }
0x27: {  	s9 =	sadd.s32 $0x200, s9;
	[tilespmem:v2+s7+$0x0] =	vst.idx.add.f32.msk $0xffff, v1  }
0x28: {  	s8 =	sadd.s32 $0x1, s8  }
0x29: {  	p0 =	sne.s32 s8, s5  }
.Ltmp2:
0x2a: {  	_ = 	snop;
	(pc) =	sbr.rel @p0 .LBB2_1-.Ltmp2, $4  }
0x2b: {  	[hbm4b:s4+s2] =	stream.linear.scatter [tilespmem:s7], [sflag:$0x1], $0x2800, $0x38;
	[tilespmem:$0x5000] =	vst v63  }
0x2c: {  	_ =	swait.ge [sflag:s6], $0x2800  }
0x2d: {  	[sflag:s6] =	ssyncset.done $0x0  }
0x2e: {  	[sflag:s6] =	ssyncadd.s32 $0xFFFFD800  }
0x2f: {  	_ =	sfence.sel $0x180000  }
0x30: {  	[bflag:$0x0] =	sbarrier.arrive $0xFFFF  }
0x31: {  	p0 =	sne.s32 s1, $0x0;
	_ =	strace $0x90000047  }
0x32: {  	s0 =	sadd.s32 @!p0 $0x100000, s0;
	[bflag:$0x2] =	sbarrier.arrive $0xFFFF  }
0x33: {  	[sflag:s0] =	ssyncadd.tile.s32 @!p0 $0x1;
	_ =	shalt  }
.Lfunc_end2:
_tile_overlayer_lowered:
.L_overlay_start_2:
0x34: {  	(tag) =	ssettag $0x2  }
0x35: {  	s0 =	rddreg [dreg:$0x0];
	s2 =	stileid.u32  }
0x36: {  	s1 =	rddreg [dreg:$0x1];
	p0 =	sne.s32 s2, $0x0  }
0x37: {  	s3 =	rddreg [dreg:$0x2];
	[bflag:$0x3] =	sbarrier.arrive $0xFFFF;
	s2 =	simm.s32 @!p0 $0x1C01  }
0x38: {  	[timem:s3], [sflag:s2] =	dma.local @!p0 [hbm:s0], s1  }
0x39: {  	s0 =	simm.s32 @!p0 $0x1  }
0x3a: {  	_ =	swait.ge @!p0 [sflag:s0], s1  }
0x3b: {  	s1 =	ssub.s32 @!p0 $0x0, s1;
	[sflag:s0] =	ssyncset.done @!p0 $0x0  }
0x3c: {  	[sflag:s0] =	ssyncadd.s32 @!p0 s1  }
0x3d: {  	[bflag:$0x3] =	sbarrier.arrive $0xFFFF  }
0x3e: {  	_ =	shalt  }

</sc_bundles>
